<compile_context>
chip_gen: v7x
topology: tpu7x:2x2x1
jax: 0.10.2.dev20260603
libtpu: 0.0.44.dev20260713+nightly
codegen_flags: <defaults>
</compile_context>

<pallas_src>
import dataclasses
import functools

import jax
import jax.numpy as jnp
from jax import lax
from jax.experimental import pallas as pl
from jax.experimental.pallas import tpu as pltpu
from jax.experimental.pallas import tpu_sc as plsc

_L = 16
_NC = 2
_NS = 16


def kernel(input, table, bias):
    input = input.astype(jnp.int32)
    seq, batch = input.shape
    vocab = table.shape[0]
    nw = _NC * _NS
    bpw = batch // nw
    groups = bpw // _L

    tab_flat = table.reshape(vocab)

    mesh = plsc.VectorSubcoreMesh(core_axis_name="c", subcore_axis_name="s")

    cp = pltpu.CompilerParams()
    if "needs_layout_passes" in pltpu.CompilerParams.__dataclass_fields__:
        cp = dataclasses.replace(cp, needs_layout_passes=False)

    @functools.partial(
        pl.kernel,
        compiler_params=cp,
        out_type=jax.ShapeDtypeStruct((batch,), jnp.float32),
        mesh=mesh,
        scratch_types=[
            pltpu.VMEM((vocab,), jnp.float32),
            pltpu.VMEM((seq, bpw), jnp.int32),
            pltpu.VMEM((bpw,), jnp.float32),
            pltpu.VMEM((_L,), jnp.float32),
            pltpu.SemaphoreType.DMA,
            pltpu.SemaphoreType.DMA,
            pltpu.SemaphoreType.DMA,
        ],
    )
    def run(inp_hbm, tab_hbm, bias_hbm, out_hbm,
            tab_v, idx_v, acc_v, bias_s, sem_t, sem_i, sem_b):
        wid = lax.axis_index("s") * _NC + lax.axis_index("c")
        base = wid * bpw
        ct = pltpu.async_copy(tab_hbm, tab_v, sem_t)
        ci = pltpu.async_copy(inp_hbm.at[:, pl.ds(base, bpw)], idx_v, sem_i)
        cb = pltpu.async_copy(bias_hbm, bias_s.at[pl.ds(0, 1)], sem_b)
        cb.wait()
        ci.wait()
        ct.wait()

        accs0 = tuple(jnp.zeros((_L,), jnp.float32) for _ in range(groups))

        @plsc.parallel_loop(0, seq, unroll=4, carry=accs0)
        def step(s, accs):
            new = []
            for g in range(groups):
                idx16 = idx_v[s, pl.ds(g * _L, _L)]
                new.append(accs[g] + plsc.load_gather(tab_v, [idx16]))
            return tuple(new)

        bvec = jnp.full((_L,), bias_s[...][0], jnp.float32)
        for g in range(groups):
            acc_v[pl.ds(g * _L, _L)] = step[g] + bvec
        pltpu.sync_copy(acc_v, out_hbm.at[pl.ds(base, bpw)])

    return run(input, tab_flat, bias.astype(jnp.float32))

# --- scband reference (transcript-rebuilt; emitter-appended) ---
"""Pipeline reference for scband-lr-3221225472039 (READ-ONLY COPY).

The authoritative reference and input builder live on the scoring server;
editing this copy changes nothing except your own understanding.
"""

import jax, jax.numpy as jnp
import numpy as np

VOCAB = 100000
SEQ = 200
BATCH = 4096
PAD_IDX = 1


def setup_inputs(seed: int = 0) -> dict:
    key = jax.random.key(seed)
    k1, k2 = jax.random.split(key, 2)
    inp = jax.random.randint(k1, (SEQ, BATCH), 0, VOCAB, dtype=jnp.int64) if jax.config.jax_enable_x64 else jax.random.randint(k1, (SEQ, BATCH), 0, VOCAB, dtype=jnp.int32)
    table = jax.random.normal(k2, (VOCAB, 1), dtype=jnp.float32)
    # nn.Embedding(padding_idx=1) zero-initializes the padding row
    table = table.at[PAD_IDX].set(0.0)
    bias = jnp.zeros((1,), dtype=jnp.float32)
    return {"input": inp, "table": table, "bias": bias}


def reference(input, table, bias):
    # LR.forward (binarize=False): self.lut(input).squeeze(-1).sum(0) + self.bias
    emb = jnp.take(table, input, axis=0)  # [SEQ, BATCH, 1]
    # padding_idx semantics: padding row contributes zero (row is zero-initialized
    # and receives no gradient); mask is a no-op in fwd given zeroed row.
    mask = (input != PAD_IDX)[..., None].astype(table.dtype)
    emb = emb * mask
    return jnp.squeeze(emb, -1).sum(0) + bias  # [BATCH]

if __name__ == "__main__":
    import jax
    _d = setup_inputs()
    print(jax.jit(kernel)(*tuple(_d.values())))

</pallas_src>

<mosaic_0001>
#map = affine_map<(d0, d1) -> (0, 0)>
#map1 = affine_map<(d0, d1) -> (0)>
module attributes {stable_mosaic.version = 14 : i64} {
  func.func @run(%arg0: i32, %arg1: i32, %arg2: memref<200x4096xi32, #tpu.memory_space<hbm>>, %arg3: memref<100000xf32, #tpu.memory_space<hbm>>, %arg4: memref<1xf32, #tpu.memory_space<hbm>>, %arg5: memref<4096xf32, #tpu.memory_space<hbm>>, %arg6: memref<100000xf32, #tpu.memory_space<vmem>>, %arg7: memref<200x128xi32, #tpu.memory_space<vmem>>, %arg8: memref<128xf32, #tpu.memory_space<vmem>>, %arg9: memref<16xf32, #tpu.memory_space<vmem>>, %arg10: memref<!tpu.dma_semaphore, #tpu.memory_space<semaphore_mem>>, %arg11: memref<!tpu.dma_semaphore, #tpu.memory_space<semaphore_mem>>, %arg12: memref<!tpu.dma_semaphore, #tpu.memory_space<semaphore_mem>>) attributes {dimension_semantics = [#tpu.dimension_semantics<core_parallel>, #tpu.dimension_semantics<subcore_parallel>], iteration_bounds = array<i64: 2, 16>, scalar_prefetch = 0 : i64, scratch_operands = 7 : i64, tpu.core_type = #tpu.core_type<sc_vector_subcore>, window_params = [{transform_indices = #map}, {transform_indices = #map1}, {transform_indices = #map1}, {transform_indices = #map1}]} {
    %mul3A = arith.constant 2 : i32
    %mul3A_0 = arith.muli %arg1, %mul3A : i32
    %add3A = arith.addi %mul3A_0, %arg0 : i32
    %mul3A_1 = arith.constant 128 : i32
    %mul3A_2 = arith.muli %add3A, %mul3A_1 : i32
    tpu.enqueue_dma source(%arg3 : memref<100000xf32, #tpu.memory_space<hbm>>) target(%arg6 : memref<100000xf32, #tpu.memory_space<vmem>>) target_semaphore(%arg10 : memref<!tpu.dma_semaphore, #tpu.memory_space<semaphore_mem>>)
    %dma_start3A = arith.constant 0 : i32
    %dma_start3A_3 = tpu.memref_slice %arg2[%dma_start3A, %mul3A_2] : memref<200x4096xi32, #tpu.memory_space<hbm>> -> memref<200x128xi32, #tpu.memory_space<hbm>>
    %dma_start3A_4 = arith.constant 0 : i32
    %dma_start3A_5 = tpu.memref_slice %arg2[%dma_start3A_4, %mul3A_2] : memref<200x4096xi32, #tpu.memory_space<hbm>> -> memref<200x128xi32, #tpu.memory_space<hbm>>
    tpu.enqueue_dma source(%dma_start3A_5 : memref<200x128xi32, #tpu.memory_space<hbm>>) target(%arg7 : memref<200x128xi32, #tpu.memory_space<vmem>>) target_semaphore(%arg11 : memref<!tpu.dma_semaphore, #tpu.memory_space<semaphore_mem>>)
    %dma_start3A_6 = arith.constant 0 : i32
    %dma_start3A_7 = tpu.memref_slice %arg9[%dma_start3A_6] : memref<16xf32, #tpu.memory_space<vmem>> -> memref<1xf32, #tpu.memory_space<vmem>>
    %dma_start3A_8 = arith.constant 0 : i32
    %dma_start3A_9 = tpu.memref_slice %arg9[%dma_start3A_8] : memref<16xf32, #tpu.memory_space<vmem>> -> memref<1xf32, #tpu.memory_space<vmem>>
    tpu.enqueue_dma source(%arg4 : memref<1xf32, #tpu.memory_space<hbm>>) target(%dma_start3A_9 : memref<1xf32, #tpu.memory_space<vmem>>) target_semaphore(%arg12 : memref<!tpu.dma_semaphore, #tpu.memory_space<semaphore_mem>>)
    %dma_wait3A = arith.constant 0 : i32
    %dma_wait3A_10 = tpu.memref_slice %arg9[%dma_wait3A] : memref<16xf32, #tpu.memory_space<vmem>> -> memref<1xf32, #tpu.memory_space<vmem>>
    %dma_wait3A_11 = arith.constant 0 : i32
    %dma_wait3A_12 = tpu.memref_slice %arg9[%dma_wait3A_11] : memref<16xf32, #tpu.memory_space<vmem>> -> memref<1xf32, #tpu.memory_space<vmem>>
    tpu.wait_dma2 semaphore(%arg12 : memref<!tpu.dma_semaphore, #tpu.memory_space<semaphore_mem>>) src(%arg4 : memref<1xf32, #tpu.memory_space<hbm>>) dst(%dma_wait3A_12 : memref<1xf32, #tpu.memory_space<vmem>>)
    %dma_wait3A_13 = arith.constant 0 : i32
    %dma_wait3A_14 = tpu.memref_slice %arg2[%dma_wait3A_13, %mul3A_2] : memref<200x4096xi32, #tpu.memory_space<hbm>> -> memref<200x128xi32, #tpu.memory_space<hbm>>
    %dma_wait3A_15 = arith.constant 0 : i32
    %dma_wait3A_16 = tpu.memref_slice %arg2[%dma_wait3A_15, %mul3A_2] : memref<200x4096xi32, #tpu.memory_space<hbm>> -> memref<200x128xi32, #tpu.memory_space<hbm>>
    tpu.wait_dma2 semaphore(%arg11 : memref<!tpu.dma_semaphore, #tpu.memory_space<semaphore_mem>>) src(%dma_wait3A_16 : memref<200x128xi32, #tpu.memory_space<hbm>>) dst(%arg7 : memref<200x128xi32, #tpu.memory_space<vmem>>)
    tpu.wait_dma2 semaphore(%arg10 : memref<!tpu.dma_semaphore, #tpu.memory_space<semaphore_mem>>) src(%arg3 : memref<100000xf32, #tpu.memory_space<hbm>>) dst(%arg6 : memref<100000xf32, #tpu.memory_space<vmem>>)
    %broadcast_in_dim3A = arith.constant 0.000000e+00 : f32
    %broadcast_in_dim3A_17 = vector.broadcast %broadcast_in_dim3A : f32 to vector<16xf32>
    %broadcast_in_dim3A_18 = arith.constant 0.000000e+00 : f32
    %broadcast_in_dim3A_19 = vector.broadcast %broadcast_in_dim3A_18 : f32 to vector<16xf32>
    %broadcast_in_dim3A_20 = arith.constant 0.000000e+00 : f32
    %broadcast_in_dim3A_21 = vector.broadcast %broadcast_in_dim3A_20 : f32 to vector<16xf32>
    %broadcast_in_dim3A_22 = arith.constant 0.000000e+00 : f32
    %broadcast_in_dim3A_23 = vector.broadcast %broadcast_in_dim3A_22 : f32 to vector<16xf32>
    %broadcast_in_dim3A_24 = arith.constant 0.000000e+00 : f32
    %broadcast_in_dim3A_25 = vector.broadcast %broadcast_in_dim3A_24 : f32 to vector<16xf32>
    %broadcast_in_dim3A_26 = arith.constant 0.000000e+00 : f32
    %broadcast_in_dim3A_27 = vector.broadcast %broadcast_in_dim3A_26 : f32 to vector<16xf32>
    %broadcast_in_dim3A_28 = arith.constant 0.000000e+00 : f32
    %broadcast_in_dim3A_29 = vector.broadcast %broadcast_in_dim3A_28 : f32 to vector<16xf32>
    %broadcast_in_dim3A_30 = arith.constant 0.000000e+00 : f32
    %broadcast_in_dim3A_31 = vector.broadcast %broadcast_in_dim3A_30 : f32 to vector<16xf32>
    %parallel_loop3A = arith.constant 0 : i32
    %parallel_loop3A_32 = arith.constant 200 : i32
    %parallel_loop3A_33 = arith.constant 1 : i32
    %parallel_loop3A_34:8 = scf.for %parallel_loop3A_60 = %parallel_loop3A to %parallel_loop3A_32 step %parallel_loop3A_33 iter_args(%parallel_loop3A_61 = %broadcast_in_dim3A_17, %parallel_loop3A_62 = %broadcast_in_dim3A_19, %parallel_loop3A_63 = %broadcast_in_dim3A_21, %parallel_loop3A_64 = %broadcast_in_dim3A_23, %parallel_loop3A_65 = %broadcast_in_dim3A_25, %parallel_loop3A_66 = %broadcast_in_dim3A_27, %parallel_loop3A_67 = %broadcast_in_dim3A_29, %parallel_loop3A_68 = %broadcast_in_dim3A_31) -> (vector<16xf32>, vector<16xf32>, vector<16xf32>, vector<16xf32>, vector<16xf32>, vector<16xf32>, vector<16xf32>, vector<16xf32>)  : i32 {
      %parallel_loop3A_69 = arith.index_cast %parallel_loop3A_60 : i32 to index
      %parallel_loop3A_70 = arith.constant 0 : index
      %parallel_loop3A_71 = tpu.vector_load %arg7[%parallel_loop3A_69, %parallel_loop3A_70] {strides = array<i32>} : memref<200x128xi32, #tpu.memory_space<vmem>>, vector<16xi32>,
      %parallel_loop3A_72 = tpu.vector_load_idx %arg6[%parallel_loop3A_71] : memref<100000xf32, #tpu.memory_space<vmem>>[vector<16xi32>], vector<16xf32>,
      %parallel_loop3A_73 = arith.addf %parallel_loop3A_61, %parallel_loop3A_72 : vector<16xf32>
      %parallel_loop3A_74 = arith.index_cast %parallel_loop3A_60 : i32 to index
      %parallel_loop3A_75 = arith.constant 16 : index
      %parallel_loop3A_76 = tpu.vector_load %arg7[%parallel_loop3A_74, %parallel_loop3A_75] {strides = array<i32>} : memref<200x128xi32, #tpu.memory_space<vmem>>, vector<16xi32>,
      %parallel_loop3A_77 = tpu.vector_load_idx %arg6[%parallel_loop3A_76] : memref<100000xf32, #tpu.memory_space<vmem>>[vector<16xi32>], vector<16xf32>,
      %parallel_loop3A_78 = arith.addf %parallel_loop3A_62, %parallel_loop3A_77 : vector<16xf32>
      %parallel_loop3A_79 = arith.index_cast %parallel_loop3A_60 : i32 to index
      %parallel_loop3A_80 = arith.constant 32 : index
      %parallel_loop3A_81 = tpu.vector_load %arg7[%parallel_loop3A_79, %parallel_loop3A_80] {strides = array<i32>} : memref<200x128xi32, #tpu.memory_space<vmem>>, vector<16xi32>,
      %parallel_loop3A_82 = tpu.vector_load_idx %arg6[%parallel_loop3A_81] : memref<100000xf32, #tpu.memory_space<vmem>>[vector<16xi32>], vector<16xf32>,
      %parallel_loop3A_83 = arith.addf %parallel_loop3A_63, %parallel_loop3A_82 : vector<16xf32>
      %parallel_loop3A_84 = arith.index_cast %parallel_loop3A_60 : i32 to index
      %parallel_loop3A_85 = arith.constant 48 : index
      %parallel_loop3A_86 = tpu.vector_load %arg7[%parallel_loop3A_84, %parallel_loop3A_85] {strides = array<i32>} : memref<200x128xi32, #tpu.memory_space<vmem>>, vector<16xi32>,
      %parallel_loop3A_87 = tpu.vector_load_idx %arg6[%parallel_loop3A_86] : memref<100000xf32, #tpu.memory_space<vmem>>[vector<16xi32>], vector<16xf32>,
      %parallel_loop3A_88 = arith.addf %parallel_loop3A_64, %parallel_loop3A_87 : vector<16xf32>
      %parallel_loop3A_89 = arith.index_cast %parallel_loop3A_60 : i32 to index
      %parallel_loop3A_90 = arith.constant 64 : index
      %parallel_loop3A_91 = tpu.vector_load %arg7[%parallel_loop3A_89, %parallel_loop3A_90] {strides = array<i32>} : memref<200x128xi32, #tpu.memory_space<vmem>>, vector<16xi32>,
      %parallel_loop3A_92 = tpu.vector_load_idx %arg6[%parallel_loop3A_91] : memref<100000xf32, #tpu.memory_space<vmem>>[vector<16xi32>], vector<16xf32>,
      %parallel_loop3A_93 = arith.addf %parallel_loop3A_65, %parallel_loop3A_92 : vector<16xf32>
      %parallel_loop3A_94 = arith.index_cast %parallel_loop3A_60 : i32 to index
      %parallel_loop3A_95 = arith.constant 80 : index
      %parallel_loop3A_96 = tpu.vector_load %arg7[%parallel_loop3A_94, %parallel_loop3A_95] {strides = array<i32>} : memref<200x128xi32, #tpu.memory_space<vmem>>, vector<16xi32>,
      %parallel_loop3A_97 = tpu.vector_load_idx %arg6[%parallel_loop3A_96] : memref<100000xf32, #tpu.memory_space<vmem>>[vector<16xi32>], vector<16xf32>,
      %parallel_loop3A_98 = arith.addf %parallel_loop3A_66, %parallel_loop3A_97 : vector<16xf32>
      %parallel_loop3A_99 = arith.index_cast %parallel_loop3A_60 : i32 to index
      %parallel_loop3A_100 = arith.constant 96 : index
      %parallel_loop3A_101 = tpu.vector_load %arg7[%parallel_loop3A_99, %parallel_loop3A_100] {strides = array<i32>} : memref<200x128xi32, #tpu.memory_space<vmem>>, vector<16xi32>,
      %parallel_loop3A_102 = tpu.vector_load_idx %arg6[%parallel_loop3A_101] : memref<100000xf32, #tpu.memory_space<vmem>>[vector<16xi32>], vector<16xf32>,
      %parallel_loop3A_103 = arith.addf %parallel_loop3A_67, %parallel_loop3A_102 : vector<16xf32>
      %parallel_loop3A_104 = arith.index_cast %parallel_loop3A_60 : i32 to index
      %parallel_loop3A_105 = arith.constant 112 : index
      %parallel_loop3A_106 = tpu.vector_load %arg7[%parallel_loop3A_104, %parallel_loop3A_105] {strides = array<i32>} : memref<200x128xi32, #tpu.memory_space<vmem>>, vector<16xi32>,
      %parallel_loop3A_107 = tpu.vector_load_idx %arg6[%parallel_loop3A_106] : memref<100000xf32, #tpu.memory_space<vmem>>[vector<16xi32>], vector<16xf32>,
      %parallel_loop3A_108 = arith.addf %parallel_loop3A_68, %parallel_loop3A_107 : vector<16xf32>
      scf.yield %parallel_loop3A_73, %parallel_loop3A_78, %parallel_loop3A_83, %parallel_loop3A_88, %parallel_loop3A_93, %parallel_loop3A_98, %parallel_loop3A_103, %parallel_loop3A_108 : vector<16xf32>, vector<16xf32>, vector<16xf32>, vector<16xf32>, vector<16xf32>, vector<16xf32>, vector<16xf32>, vector<16xf32>
    } {sc.loop_unroll_factor = 4 : i64, sc.parallel_access}
    %get3A = arith.constant 0 : index
    %get3A_35 = tpu.vector_load %arg9[%get3A] {strides = array<i32>} : memref<16xf32, #tpu.memory_space<vmem>>, vector<16xf32>,
    %slice3A = vector.extract_strided_slice %get3A_35 {offsets = [0], sizes = [1], strides = [1]} : vector<16xf32> to vector<1xf32>
    %squeeze3A = vector.extract %slice3A[0] : f32 from vector<1xf32>
    %broadcast_in_dim3A_36 = vector.broadcast %squeeze3A : f32 to vector<16xf32>
    %add3A_37 = arith.addf %parallel_loop3A_34#0, %broadcast_in_dim3A_36 : vector<16xf32>
    %swap3A = arith.constant 0 : index
    %swap3A_38 = tpu.vector_load %arg8[%swap3A] {strides = array<i32>} : memref<128xf32, #tpu.memory_space<vmem>>, vector<16xf32>,
    tpu.vector_store %arg8[%swap3A], %add3A_37 {strides = array<i32>} : memref<128xf32, #tpu.memory_space<vmem>>, vector<16xf32>,
    %add3A_39 = arith.addf %parallel_loop3A_34#1, %broadcast_in_dim3A_36 : vector<16xf32>
    %swap3A_40 = arith.constant 16 : index
    %swap3A_41 = tpu.vector_load %arg8[%swap3A_40] {strides = array<i32>} : memref<128xf32, #tpu.memory_space<vmem>>, vector<16xf32>,
    tpu.vector_store %arg8[%swap3A_40], %add3A_39 {strides = array<i32>} : memref<128xf32, #tpu.memory_space<vmem>>, vector<16xf32>,
    %add3A_42 = arith.addf %parallel_loop3A_34#2, %broadcast_in_dim3A_36 : vector<16xf32>
    %swap3A_43 = arith.constant 32 : index
    %swap3A_44 = tpu.vector_load %arg8[%swap3A_43] {strides = array<i32>} : memref<128xf32, #tpu.memory_space<vmem>>, vector<16xf32>,
    tpu.vector_store %arg8[%swap3A_43], %add3A_42 {strides = array<i32>} : memref<128xf32, #tpu.memory_space<vmem>>, vector<16xf32>,
    %add3A_45 = arith.addf %parallel_loop3A_34#3, %broadcast_in_dim3A_36 : vector<16xf32>
    %swap3A_46 = arith.constant 48 : index
    %swap3A_47 = tpu.vector_load %arg8[%swap3A_46] {strides = array<i32>} : memref<128xf32, #tpu.memory_space<vmem>>, vector<16xf32>,
    tpu.vector_store %arg8[%swap3A_46], %add3A_45 {strides = array<i32>} : memref<128xf32, #tpu.memory_space<vmem>>, vector<16xf32>,
    %add3A_48 = arith.addf %parallel_loop3A_34#4, %broadcast_in_dim3A_36 : vector<16xf32>
    %swap3A_49 = arith.constant 64 : index
    %swap3A_50 = tpu.vector_load %arg8[%swap3A_49] {strides = array<i32>} : memref<128xf32, #tpu.memory_space<vmem>>, vector<16xf32>,
    tpu.vector_store %arg8[%swap3A_49], %add3A_48 {strides = array<i32>} : memref<128xf32, #tpu.memory_space<vmem>>, vector<16xf32>,
    %add3A_51 = arith.addf %parallel_loop3A_34#5, %broadcast_in_dim3A_36 : vector<16xf32>
    %swap3A_52 = arith.constant 80 : index
    %swap3A_53 = tpu.vector_load %arg8[%swap3A_52] {strides = array<i32>} : memref<128xf32, #tpu.memory_space<vmem>>, vector<16xf32>,
    tpu.vector_store %arg8[%swap3A_52], %add3A_51 {strides = array<i32>} : memref<128xf32, #tpu.memory_space<vmem>>, vector<16xf32>,
    %add3A_54 = arith.addf %parallel_loop3A_34#6, %broadcast_in_dim3A_36 : vector<16xf32>
    %swap3A_55 = arith.constant 96 : index
    %swap3A_56 = tpu.vector_load %arg8[%swap3A_55] {strides = array<i32>} : memref<128xf32, #tpu.memory_space<vmem>>, vector<16xf32>,
    tpu.vector_store %arg8[%swap3A_55], %add3A_54 {strides = array<i32>} : memref<128xf32, #tpu.memory_space<vmem>>, vector<16xf32>,
    %add3A_57 = arith.addf %parallel_loop3A_34#7, %broadcast_in_dim3A_36 : vector<16xf32>
    %swap3A_58 = arith.constant 112 : index
    %swap3A_59 = tpu.vector_load %arg8[%swap3A_58] {strides = array<i32>} : memref<128xf32, #tpu.memory_space<vmem>>, vector<16xf32>,
    tpu.vector_store %arg8[%swap3A_58], %add3A_57 {strides = array<i32>} : memref<128xf32, #tpu.memory_space<vmem>>, vector<16xf32>,
    "tpu.region"() ({
      %run_scoped3A = tpu.sem_alloc : memref<!tpu.dma_semaphore, #tpu.memory_space<semaphore_mem>>
      %dma_start3A_60 = tpu.memref_slice %arg5[%mul3A_2] : memref<4096xf32, #tpu.memory_space<hbm>> -> memref<128xf32, #tpu.memory_space<hbm>>
      %dma_start3A_61 = tpu.memref_slice %arg5[%mul3A_2] : memref<4096xf32, #tpu.memory_space<hbm>> -> memref<128xf32, #tpu.memory_space<hbm>>
      tpu.enqueue_dma source(%arg8 : memref<128xf32, #tpu.memory_space<vmem>>) target(%dma_start3A_61 : memref<128xf32, #tpu.memory_space<hbm>>) target_semaphore(%run_scoped3A : memref<!tpu.dma_semaphore, #tpu.memory_space<semaphore_mem>>)
      %dma_wait3A_62 = tpu.memref_slice %arg5[%mul3A_2] : memref<4096xf32, #tpu.memory_space<hbm>> -> memref<128xf32, #tpu.memory_space<hbm>>
      %dma_wait3A_63 = tpu.memref_slice %arg5[%mul3A_2] : memref<4096xf32, #tpu.memory_space<hbm>> -> memref<128xf32, #tpu.memory_space<hbm>>
      tpu.wait_dma2 semaphore(%run_scoped3A : memref<!tpu.dma_semaphore, #tpu.memory_space<semaphore_mem>>) src(%arg8 : memref<128xf32, #tpu.memory_space<vmem>>) dst(%dma_wait3A_63 : memref<128xf32, #tpu.memory_space<hbm>>)
      tpu.yield
    }) : () -> ()
    return
  }
}

</mosaic_0001>

<sc_bundles>
// kernel: kernel.3.cloned.1.call-start
scs
__scs_entry_jumppad:
0x0: {  	(pc) =	sbr.rel $0x88, $3  }
0x1: {  	(tag) =	ssettag $0x0;
	lr =	simm.s32 $0x1  }
0x2: {  	[smem:$0x3F9E] =	sst lr;
	_ =	strace $0xD0000000  }
0x3: {  	_ = 	snop  }
0x4: {  	_ = 	snop  }
0x5: {  	_ = 	snop  }
0x6: {  	_ = 	snop  }
0x7: {  	_ = 	snop  }
__scs_overlays_trampoline_lowered:
0x8: {  	[smem:$0x3FAD] =	sst s0  }
0x9: {  	[smem:$0x3FAE] =	sst s1  }
0xa: {  	[smem:$0x3FAF] =	sst s2  }
0xb: {  	[smem:$0x3FB0] =	sst s3  }
0xc: {  	[smem:$0x3FB1] =	sst s4  }
0xd: {  	[smem:$0x3FB2] =	sst s5  }
0xe: {  	[smem:$0x3FB3] =	sst s6  }
0xf: {  	[smem:$0x3FB4] =	sst s7  }
0x10: {  	[smem:$0x3FB5] =	sst s8  }
0x11: {  	[smem:$0x3FB6] =	sst s9;
	s0 =	simm.s32 @!p0 $0x0  }
0x12: {  	s1 =	sld [smem:$0x3F9C];
	s0 =	simm.s32 @p0 $0x1  }
0x13: {  	[smem:$0x3FB7] =	sst s0;
	s0 =	simm.s32 @!p1 $0x0  }
0x14: {  	s2 =	sld [smem:$0x3F9B];
	s0 =	simm.s32 @p1 $0x1  }
0x15: {  	[smem:$0x3FB8] =	sst s0;
	s0 =	simm.s32 @!p2 $0x0  }
0x16: {  	s3 =	sld [smem:$0x3FDB];
	s0 =	simm.s32 @p2 $0x1  }
0x17: {  	s4 =	simm.s32 $0x1BF5;
	[smem:$0x3FBA] =	sst s0  }
0x18: {  	s0 =	sld [smem:$0x3F9D];
	_ =	swait.ge [sflag:s4], $0x0  }
0x19: {  	s7 =	sld [smem:$0x3F9E]  }
0x1a: {  	s8 =	sadd.s32 $0xFFFFE003, lr  }
0x1b: {  	s9 =	sadd.s32 $0xFFFFFEF7, lr;
	s5 =	simm.s32 $0xFFFFFFFF;
	p2 =	slt.u32 s8, $0xFFFFF086  }
0x1c: {  	p1 =	slt.u32 s9, $0xF7A;
	s5 =	simm.s32 @!p2 $0x0  }
0x1d: {  	s5 =	simm.s32 @p1 $0x1;
	p0 =	seq.s32 s7, s2  }
0x1e: {  	s7 =	smul.u32 @!p0 $0xF7A, s2;
	p2 =	seq.s32 @!p0 s5, $0x0  }
0x1f: {  	s9 =	smul.u32 $0xF7A, s1;
	s8 =	simm.s32 @!p0 $0x1BF5;
	p2 =	por !p2, p0  }
0x20: {  	[sflag:s8] =	ssyncset.s32 @!p0 $0xFFFFF086;
	s6 =	sadd.s32 @!p0 s3, s7;
	s7 =	simm.s32 @!p0 $0x108  }
0x21: {  	s3 =	sadd.s32 s3, s9;
	s6 =	sadd.s32 @!p0 $0x88, s6;
	s7 =	simm.s32 @p2 $0x1082  }
0x22: {  	[simem:s7], [sflag:s8] =	dma.local @!p0 [hbm:s6], $0xF7A  }
0x23: {  	s9 =	sor.u32 $0xD0000000, s2;
	s6 =	simm.s32 $0x108;
	_ =	swait.ge @!p0 [sflag:s8], $0x0  }
0x24: {  	s3 =	sadd.s32 $0x88, s3;
	s6 =	simm.s32 @!p1 $0x1082;
	[sflag:s4] =	ssyncset.s32 $0xFFFFF086  }
0x25: {  	[simem:s6], [sflag:s4] =	dma.local [hbm:s3], $0xF7A  }
0x26: {  	[smem:$0x3F9E] =	sst s1;
	(tag) =	ssettag s2;
	_ =	strace s9  }
0x27: {  	s1 =	sld [smem:$0x3FAE]  }
0x28: {  	s2 =	sld [smem:$0x3FAF]  }
0x29: {  	s4 =	sld [smem:$0x3FB1]  }
0x2a: {  	p0 =	seq.s32 s5, $0x0;
	s5 =	sld [smem:$0x3FB2]  }
0x2b: {  	s6 =	sld [smem:$0x3FB3]  }
0x2c: {  	s7 =	sld [smem:$0x3FB4]  }
0x2d: {  	s3 =	simm.s32 $0x108;
	s8 =	sld [smem:$0x3FB5]  }
0x2e: {  	s3 =	simm.s32 @!p0 $0x1082;
	s9 =	sld [smem:$0x3FB6]  }
0x2f: {  	lr =	sadd.s32 s0, s3;
	s0 =	sld [smem:$0x3FAD]  }
0x30: {  	s3 =	sld [smem:$0x3FB0]  }
0x31: {  	[smem:$0x3FB9] =	sst s10  }
0x32: {  	s10 =	sld [smem:$0x3FB7];
	_ =	sdelay $0x3  }
0x33: {  	p0 =	seq.s32 s10, $0x1;
	s10 =	sld [smem:$0x3FB9];
	_ =	sdelay $0x3  }
0x34: {  	[smem:$0x3FB9] =	sst s10  }
0x35: {  	s10 =	sld [smem:$0x3FB8];
	_ =	sdelay $0x3  }
0x36: {  	p1 =	seq.s32 s10, $0x1;
	s10 =	sld [smem:$0x3FB9];
	_ =	sdelay $0x3  }
0x37: {  	[smem:$0x3FB9] =	sst s10  }
0x38: {  	s10 =	sld [smem:$0x3FBA]  }
0x39: {  	_ = 	snop;
	(pc) =	sbr.ind lr, $3  }
0x3a: {  	_ = 	snop  }
0x3b: {  	_ = 	snop  }
0x3c: {  	p2 =	seq.s32 s10, $0x1;
	s10 =	sld [smem:$0x3FB9]  }
0x3d: {  	_ =	shalt  }
0x3e: {  	_ =	shalt  }
0x3f: {  	_ =	shalt  }
0x40: {  	_ =	shalt  }
0x41: {  	_ =	shalt  }
0x42: {  	_ =	shalt  }
0x43: {  	_ =	shalt  }
0x44: {  	_ =	shalt  }
0x45: {  	_ =	shalt  }
0x46: {  	_ =	shalt  }
0x47: {  	_ =	shalt  }
0x48: {  	_ =	shalt  }
0x49: {  	_ =	shalt  }
0x4a: {  	_ =	shalt  }
0x4b: {  	_ =	shalt  }
0x4c: {  	_ =	shalt  }
0x4d: {  	_ =	shalt  }
0x4e: {  	_ =	shalt  }
0x4f: {  	_ =	shalt  }
0x50: {  	_ =	shalt  }
0x51: {  	_ =	shalt  }
0x52: {  	_ =	shalt  }
0x53: {  	_ =	shalt  }
0x54: {  	_ =	shalt  }
0x55: {  	_ =	shalt  }
0x56: {  	_ =	shalt  }
0x57: {  	_ =	shalt  }
0x58: {  	_ =	shalt  }
0x59: {  	_ =	shalt  }
0x5a: {  	_ =	shalt  }
0x5b: {  	_ =	shalt  }
0x5c: {  	_ =	shalt  }
0x5d: {  	_ =	shalt  }
0x5e: {  	_ =	shalt  }
0x5f: {  	_ =	shalt  }
0x60: {  	_ =	shalt  }
0x61: {  	_ =	shalt  }
0x62: {  	_ =	shalt  }
0x63: {  	_ =	shalt  }
0x64: {  	_ =	shalt  }
0x65: {  	_ =	shalt  }
0x66: {  	_ =	shalt  }
0x67: {  	_ =	shalt  }
0x68: {  	_ =	shalt  }
0x69: {  	_ =	shalt  }
0x6a: {  	_ =	shalt  }
0x6b: {  	_ =	shalt  }
0x6c: {  	_ =	shalt  }
0x6d: {  	_ =	shalt  }
0x6e: {  	_ =	shalt  }
0x6f: {  	_ =	shalt  }
0x70: {  	_ =	shalt  }
0x71: {  	_ =	shalt  }
0x72: {  	_ =	shalt  }
0x73: {  	_ =	shalt  }
0x74: {  	_ =	shalt  }
0x75: {  	_ =	shalt  }
0x76: {  	_ =	shalt  }
0x77: {  	_ =	shalt  }
0x78: {  	_ =	shalt  }
0x79: {  	_ =	shalt  }
0x7a: {  	_ =	shalt  }
0x7b: {  	_ =	shalt  }
0x7c: {  	_ =	shalt  }
0x7d: {  	_ =	shalt  }
0x7e: {  	_ =	shalt  }
0x7f: {  	_ =	shalt  }
0x80: {  	_ =	shalt  }
0x81: {  	_ =	shalt  }
0x82: {  	_ =	shalt  }
0x83: {  	_ =	shalt  }
0x84: {  	_ =	shalt  }
0x85: {  	_ =	shalt  }
0x86: {  	_ =	shalt  }
0x87: {  	_ =	shalt  }
.Lfunc_end0:
.L_simem_size_0:
called_computation_lowered:
.L_overlay_start_0:
0x88: {  	s2 =	sld [smem:$0x3FD9]  }
0x89: {  	s3 =	sld [smem:$0x3FFE];
	_ =	sdelay $0x1  }
0x8a: {  	s1 =	srdreg.scid  }
0x8b: {  	s0 =	sand.u32 $0x1, s1  }
0x8c: {  	s17 =	sshll.u32 s0, $0xA;
	s2 =	sadd.s32 s3, s2  }
0x8d: {  	s2 =	sadd.s32 s2, s17  }
0x8e: {  	[smem:$0x3FC5] =	sst s2  }
0x8f: {  	_ = 	snop  }
0x90: {  	s2 =	sld [smem:$0x3FC9]  }
0x91: {  	s18 =	sld [smem:$0x3FC7]  }
0x92: {  	s4 =	sld [smem:$0x3FD0];
	(tm) =	ssettm $0x1  }
0x93: {  	s5 =	sld [smem:$0x3FFB];
	_ =	sdelay $0x3  }
0x94: {  	_ =	strace s5  }
0x95: {  	s5 =	sld [smem:$0x3FFC];
	_ =	sdelay $0x3  }
0x96: {  	_ =	strace s5  }
0x97: {  	s5 =	sld [smem:$0x3FFD];
	_ =	sdelay $0x3  }
0x98: {  	_ =	strace s5  }
0x99: {  	_ =	strace $0x8FFFFFFF  }
0x9a: {  	s19 =	sld [smem:$0x3FDB];
	_ =	sdelay $0x1  }
0x9b: {  	s6 =	simm.s32 $_scs_section_size  }
0x9c: {  	s7 =	simm.s32 $_size__tile_overlayer_lowered;
	s8 =	simm.s32 $_tile_overlayer_lowered  }
0x9d: {  	s22 =	simm.s32 $0x1BFF;
	s21 =	sshll.u32 s8, $0x1;
	s5 =	sadd.s32 s6, s19  }
0x9e: {  	s9 =	simm.s32 $0x0;
	s20 =	sshll.u32 s7, $0x1;
	s7 =	sadd.s32 s21, s5  }
0x9f: {  	[timem:s9], [sflag:s22] =	dma.local [hbm:s7], s20  }
0xa0: {  	_ =	swait.ge [sflag:s22], s20  }
0xa1: {  	s6 =	ssub.s32 $0x0, s20;
	[sflag:s22] =	ssyncset.done $0x0  }
0xa2: {  	[sflag:s22] =	ssyncadd.s32 s6;
	_ =	sdelay $0x1  }
0xa3: {  	s23 =	simm.s32 $0x1B8B  }
0xa4: {  	_ =	swait.ge [sflag:s23], $0x1  }
0xa5: {  	[sflag:s23] =	ssyncset.done $0x0  }
0xa6: {  	s25 =	simm.s32 $0x1B8E;
	s24 =	sld [smem:$0x3FFE];
	[sflag:s23] =	ssyncadd.s32 $0xFFFFFFFF  }
0xa7: {  	s26 =	simm.s32 $execute0_lowered;
	[smem:$0x3FD2] =	sst s25  }
0xa8: {  	s7 =	sshll.u32 s26, $0x1;
	_ =	strace $0x80000046;
	[dreg:$0x1] =	wrdreg $0xFFFFFFFF  }
0xa9: {  	s28 =	simm.s32 $_size_execute0_lowered;
	s5 =	sadd.s32 s5, s7;
	[dreg:$0x0] =	wrdreg $0x0  }
0xaa: {  	s7 =	sshll.u32 s28, $0x1;
	[dreg:$0x2] =	wrdreg s5  }
0xab: {  	[dreg:$0x3] =	wrdreg s7  }
0xac: {  	[dreg:$0x4] =	wrdreg $0xC0  }
0xad: {  	_ =	task [dreg:s9], $0x5FFFF  }
0xae: {  	[dreg:$0x1] =	wrdreg $0xFFFFFFFF  }
0xaf: {  	[dreg:$0x0] =	wrdreg $0x60  }
0xb0: {  	[dreg:$0x2] =	wrdreg s2  }
0xb1: {  	[dreg:$0x3] =	wrdreg s24  }
0xb2: {  	[dreg:$0x4] =	wrdreg s18  }
0xb3: {  	[dreg:$0x5] =	wrdreg s4  }
0xb4: {  	[dreg:$0x6] =	wrdreg $0x9  }
0xb5: {  	_ =	task.clear_ibuf [dreg:s9], $0x7FFFF;
	_ =	strace $0x90000046  }
0xb6: {  	s29 =	simm.s32 $0x9;
	_ =	strace $0x80000048  }
0xb7: {  	_ =	swait.ge [sflag:s29], $0x1  }
0xb8: {  	[sflag:s29] =	ssyncadd.s32 $0xFFFFFFFF  }
0xb9: {  	_ =	strace $0x90000048  }
0xba: {  	_ =	sfence  }
0xbb: {  	s30 =	sld [smem:$0x0];
	_ =	sdelay $0x2  }
0xbc: {  	s31 =	sshll.u32 s1, $0xD;
	s1 =	sshrl.u32 s1, $0x2  }
0xbd: {  	s3 =	sand.u32 $0x4000, s31;
	s1 =	sadd.s32 s1, s30  }
0xbe: {  	s0 =	sor.u32 s3, s0;
	s1 =	sshll.u32 s1, $0x11  }
0xbf: {  	s0 =	sor.u32 s1, s0  }
0xc0: {  	s0 =	sadd.s32 $0x8F2B, s0  }
0xc1: {  	[sflag:s0] =	ssyncadd.remote.s32 $0x1  }
0xc2: {  	_ =	sfence.sel $0xFFFF  }
0xc3: {  	[dreg:$0x0] =	wrdreg $0xFFFFFFFF;
	(pc) =	sbr.abs _section_cstart, $3  }
0xc4: {  	[dreg:$0x1] =	wrdreg $0xFFFFFFFF  }
0xc5: {  	_ =	task.clear_ibuf [dreg:s9], $0x2FFFF;
	_ =	strace $0x9FFFFFFF  }
0xc6: {  	(tm) =	ssettm $0x7FFFFFFF  }
0xc7: {  	_ =	shalt  }
tec
execute0_lowered:
.L_overlay_start_1:
0x0: {  	(tag) =	ssettag $0x1  }
0x1: {  	s5 =	rddreg [dreg:$0x0]  }
0x2: {  	s1 =	rddreg [dreg:$0x1]  }
0x3: {  	s3 =	rddreg [dreg:$0x2]  }
0x4: {  	s6 =	rddreg [dreg:$0x3]  }
0x5: {  	s0 =	rddreg [dreg:$0x4]  }
0x6: {  	s7 =	srdreg.scid;
	s2 =	stileid.u32  }
0x7: {  	s4 =	simm.s32 $0x0;
	s11 =	simm.s32 $0x1EB80;
	s12 =	simm.s32 $0x3  }
0x8: {  	s13 =	simm.s32 $0x2;
	s14 =	simm.s32 $0x1;
	s15 =	simm.s32 $0x1EB00  }
0x9: {  	s16 =	simm.s32 $0x4;
	s17 =	simm.s32 $0x0;
	s7 =	sand.u32 $0x1, s7  }
0xa: {  	s8 =	sshll.u32 s2, $0x1;
	[smem:$0x7FF] =	sst s4;
	s9 =	ssub.s32 $0x2, s7  }
0xb: {  	s7 =	sor.u32 s7, s8;
	_ =	strace $0x80000047;
	s31 =	sshrl.u32 s9, $0x1  }
0xc: {  	s10 =	sshll.u32 s7, $0x7;
	s7 =	sshll.u32 s7, $0x4;
	s8 =	ssub.s32 s9, s31  }
0xd: {  	s5 =	sadd.s32 s5, s10;
	s6 =	sadd.s32 s6, s7;
	s9 =	simm.s32 $0x8000  }
0xe: {  	s10 =	simm.s32 $0x18700;
	s7 =	smax.u32 s8, $0x1;
	s8 =	simm.s32 $0x400  }
.LBB2_1:
0xf: {  	[tilespmem:s4], [sflag:$0x1] =	stream.linear.gather [hbm4b:s1+s4], $0x18700, $0x38;
	[tilespmem:$0x1EC00] =	vst v63  }
0x10: {  	_ = 	snop  }
0x11: {  	[tilespmem:s10], [sflag:$0x2] =	stream.strided.gather [hbm4b:s5+s8], $0x6400, s9, s8, $0x38;
	[tilespmem:$0x1EC00] =	vst v63  }
0x12: {  	_ = 	snop  }
0x13: {  	[tilespmem:s11], [sflag:$0x3] =	stream.linear.gather [hbm4b:s3+s4], $0x1, $0x38;
	[tilespmem:$0x1EC00] =	vst v63  }
0x14: {  	_ =	swait.ge [sflag:s12], $0x1  }
0x15: {  	[sflag:s12] =	ssyncset.done $0x0  }
0x16: {  	[sflag:s12] =	ssyncadd.s32 $0xFFFFFFFF  }
0x17: {  	_ =	swait.ge [sflag:s13], $0x6400  }
0x18: {  	[sflag:s13] =	ssyncset.done $0x0  }
0x19: {  	[sflag:s13] =	ssyncadd.s32 $0xFFFF9C00  }
0x1a: {  	_ =	swait.ge [sflag:s14], $0x18700  }
0x1b: {  	[sflag:s14] =	ssyncset.done $0x0  }
0x1c: {  	s18 =	simm.s32 $0x18800;
	[sflag:s14] =	ssyncadd.s32 $0xFFFE7900  }
0x1d: {  	v0 =	vld [tilespmem:s18+$0x80]  }
0x1e: {  	v1 =	vld [tilespmem:s18+$0x90]  }
0x1f: {  	v2 =	vld [tilespmem:s18+$0xA0]  }
0x20: {  	v3 =	vld [tilespmem:s18+$0xB0]  }
0x21: {  	v4 =	vld [tilespmem:s18+$0xC0]  }
0x22: {  	v6 =	vld [tilespmem:s18+$0xD0]  }
0x23: {  	v8 =	vld [tilespmem:s18+$0xE0]  }
0x24: {  	v9 =	vld [tilespmem:s18+$0xF0]  }
0x25: {  	v7 =	vld [tilespmem:s18+$0x0]  }
0x26: {  	v10 =	vld [tilespmem:s18+$0x10]  }
0x27: {  	v11 =	vld [tilespmem:s18+$0x20]  }
0x28: {  	v12 =	vld [tilespmem:s18+$0x30]  }
0x29: {  	v13 =	vld [tilespmem:s18+$0x40]  }
0x2a: {  	v14 =	vld [tilespmem:s18+$0x50]  }
0x2b: {  	v17 =	vld [tilespmem:s18+$0x60]  }
0x2c: {  	v19 =	vld [tilespmem:s18+$0x70]  }
0x2d: {  	v15 =	vld [tilespmem:s18+$0xFFFFFF80]  }
0x2e: {  	v16 =	vld [tilespmem:s18+$0xFFFFFF90]  }
0x2f: {  	v18 =	vld [tilespmem:s18+$0xFFFFFFA0]  }
0x30: {  	v20 =	vld [tilespmem:s18+$0xFFFFFFB0]  }
0x31: {  	v21 =	vld [tilespmem:s18+$0xFFFFFFC0]  }
0x32: {  	v22 =	vld [tilespmem:s18+$0xFFFFFFD0]  }
0x33: {  	v23 =	vld [tilespmem:s18+$0xFFFFFFE0]  }
0x34: {  	v24 =	vld [tilespmem:s18+$0xFFFFFFF0]  }
0x35: {  	v25 =	vld [tilespmem:s18+$0xFFFFFF00]  }
0x36: {  	v26 =	vld [tilespmem:s18+$0xFFFFFF10]  }
0x37: {  	v27 =	vld [tilespmem:s18+$0xFFFFFF20]  }
0x38: {  	v28 =	vld [tilespmem:s18+$0xFFFFFF30]  }
0x39: {  	v29 =	vld [tilespmem:s18+$0xFFFFFF40]  }
0x3a: {  	v30 =	vld [tilespmem:s18+$0xFFFFFF50]  }
0x3b: {  	v31 =	vld [tilespmem:s18+$0xFFFFFF60]  }
0x3c: {  	v32 =	vld [tilespmem:s18+$0xFFFFFF70]  }
0x3d: {  	v0 =	vld.idx.msk [tilespmem:v0+s4+$0x0], $0xffff  }
0x3e: {  	v1 =	vld.idx.msk [tilespmem:v1+s4+$0x0], $0xffff  }
0x3f: {  	v33 =	vld.idx.msk [tilespmem:v2+s4+$0x0], $0xffff  }
0x40: {  	v34 =	vld.idx.msk [tilespmem:v3+s4+$0x0], $0xffff  }
0x41: {  	v5 =	vld.idx.msk [tilespmem:v4+s4+$0x0], $0xffff  }
0x42: {  	v3 =	vld.idx.msk [tilespmem:v6+s4+$0x0], $0xffff  }
0x43: {  	v2 =	vld.idx.msk [tilespmem:v7+s4+$0x0], $0xffff  }
0x44: {  	v4 =	vld.idx.msk [tilespmem:v10+s4+$0x0], $0xffff  }
0x45: {  	v6 =	vld.idx.msk [tilespmem:v11+s4+$0x0], $0xffff  }
0x46: {  	v7 =	vld.idx.msk [tilespmem:v12+s4+$0x0], $0xffff  }
0x47: {  	v12 =	vld.idx.msk [tilespmem:v13+s4+$0x0], $0xffff  }
0x48: {  	v13 =	vld.idx.msk [tilespmem:v14+s4+$0x0], $0xffff  }
0x49: {  	v10 =	vld.idx.msk [tilespmem:v15+s4+$0x0], $0xffff  }
0x4a: {  	v11 =	vld.idx.msk [tilespmem:v16+s4+$0x0], $0xffff  }
0x4b: {  	v16 =	vld.idx.msk [tilespmem:v25+s4+$0x0], $0xffff  }
0x4c: {  	v58 =	vld.idx.msk [tilespmem:v26+s4+$0x0], $0xffff  }
0x4d: {  	v59 =	vld.idx.msk [tilespmem:v27+s4+$0x0], $0xffff  }
0x4e: {  	v60 =	vld.idx.msk [tilespmem:v28+s4+$0x0], $0xffff  }
0x4f: {  	v18 =	vld.idx.msk [tilespmem:v18+s4+$0x0], $0xffff  }
0x50: {  	v20 =	vld.idx.msk [tilespmem:v20+s4+$0x0], $0xffff  }
0x51: {  	v14 =	vld.idx.msk [tilespmem:v21+s4+$0x0], $0xffff  }
0x52: {  	v21 =	vimm.f32 $0.0e+00;
	v15 =	vld.idx.msk [tilespmem:v22+s4+$0x0], $0xffff  }
0x53: {  	v61 =	vld.idx.msk [tilespmem:v29+s4+$0x0], $0xffff;
	v16 =	vadd.f32 v16, v21;
	v22 =	vadd.f32 v58, v21  }
0x54: {  	v62 =	vld.idx.msk [tilespmem:v30+s4+$0x0], $0xffff;
	v26 =	vadd.f32 v59, v21;
	v27 =	vadd.f32 v60, v21  }
0x55: {  	v63 =	vld.idx.msk [tilespmem:v31+s4+$0x0], $0xffff;
	v10 =	vadd.f32 v10, v16;
	v11 =	vadd.f32 v11, v22  }
0x56: {  	v17 =	vld.idx.msk [tilespmem:v17+s4+$0x0], $0xffff;
	v26 =	vadd.f32 v18, v26;
	v20 =	vadd.f32 v20, v27  }
0x57: {  	v22 =	vld.idx.msk [tilespmem:v32+s4+$0x0], $0xffff;
	v2 =	vadd.f32 v2, v10;
	v10 =	vadd.f32 v4, v11  }
0x58: {  	v16 =	vld.idx.msk [tilespmem:v23+s4+$0x0], $0xffff;
	v6 =	vadd.f32 v6, v26;
	v7 =	vadd.f32 v7, v20  }
0x59: {  	v18 =	vld.idx.msk [tilespmem:v24+s4+$0x0], $0xffff;
	v4 =	vadd.f32 v0, v2;
	v2 =	vadd.f32 v1, v10  }
0x5a: {  	v19 =	vld.idx.msk [tilespmem:v19+s4+$0x0], $0xffff;
	v1 =	vadd.f32 v33, v6;
	v0 =	vadd.f32 v34, v7  }
0x5b: {  	v9 =	vld.idx.msk [tilespmem:v9+s4+$0x0], $0xffff;
	v6 =	vadd.f32 v61, v21;
	v7 =	vadd.f32 v62, v21  }
0x5c: {  	s19 =	simm.s32 $0x18A00;
	s18 =	simm.s32 $0x0;
	v11 =	vld.idx.msk [tilespmem:v8+s4+$0x0], $0xffff;
	v8 =	vadd.f32 v63, v21;
	v20 =	vadd.f32 v22, v21  }
.LBB2_2:
0x5d: {  	v21 =	vld [tilespmem:s19+$0x80];
	v6 =	vadd.f32 v14, v6;
	v7 =	vadd.f32 v15, v7  }
0x5e: {  	v14 =	vld [tilespmem:s19+$0x90];
	v8 =	vadd.f32 v16, v8;
	v10 =	vadd.f32 v18, v20  }
0x5f: {  	v15 =	vld [tilespmem:s19+$0xA0];
	v6 =	vadd.f32 v12, v6;
	v7 =	vadd.f32 v13, v7  }
0x60: {  	v12 =	vld [tilespmem:s19+$0xB0];
	v8 =	vadd.f32 v17, v8;
	v10 =	vadd.f32 v19, v10  }
0x61: {  	v13 =	vld [tilespmem:s19+$0xC0];
	v6 =	vadd.f32 v5, v6;
	v7 =	vadd.f32 v3, v7  }
0x62: {  	v3 =	vld [tilespmem:s19+$0xD0];
	v8 =	vadd.f32 v11, v8;
	v9 =	vadd.f32 v9, v10  }
0x63: {  	v11 =	vld [tilespmem:s19+$0xE0]  }
0x64: {  	v10 =	vld [tilespmem:s19+$0xF0]  }
0x65: {  	v16 =	vld [tilespmem:s19+$0x0]  }
0x66: {  	v17 =	vld [tilespmem:s19+$0x10]  }
0x67: {  	v18 =	vld [tilespmem:s19+$0x20]  }
0x68: {  	v19 =	vld [tilespmem:s19+$0x30]  }
0x69: {  	v20 =	vld [tilespmem:s19+$0x40]  }
0x6a: {  	v22 =	vld [tilespmem:s19+$0x50]  }
0x6b: {  	v23 =	vld [tilespmem:s19+$0x60]  }
0x6c: {  	v24 =	vld [tilespmem:s19+$0x70]  }
0x6d: {  	v25 =	vld [tilespmem:s19+$0xFFFFFF80]  }
0x6e: {  	v26 =	vld [tilespmem:s19+$0xFFFFFF90]  }
0x6f: {  	v27 =	vld [tilespmem:s19+$0xFFFFFFA0]  }
0x70: {  	v28 =	vld [tilespmem:s19+$0xFFFFFFB0]  }
0x71: {  	v29 =	vld [tilespmem:s19+$0xFFFFFFC0]  }
0x72: {  	v30 =	vld [tilespmem:s19+$0xFFFFFFD0]  }
0x73: {  	v31 =	vld [tilespmem:s19+$0xFFFFFFE0]  }
0x74: {  	v32 =	vld [tilespmem:s19+$0xFFFFFFF0]  }
0x75: {  	v33 =	vld [tilespmem:s19+$0xFFFFFF00]  }
0x76: {  	v34 =	vld [tilespmem:s19+$0xFFFFFF10]  }
0x77: {  	v35 =	vld [tilespmem:s19+$0xFFFFFF20]  }
0x78: {  	v36 =	vld [tilespmem:s19+$0xFFFFFF30]  }
0x79: {  	v37 =	vld [tilespmem:s19+$0xFFFFFF40]  }
0x7a: {  	v38 =	vld [tilespmem:s19+$0xFFFFFF50]  }
0x7b: {  	v39 =	vld [tilespmem:s19+$0xFFFFFF60]  }
0x7c: {  	v40 =	vld [tilespmem:s19+$0xFFFFFF70]  }
0x7d: {  	v21 =	vld.idx.msk [tilespmem:v21+s4+$0x0], $0xffff  }
0x7e: {  	v41 =	vld.idx.msk [tilespmem:v14+s4+$0x0], $0xffff  }
0x7f: {  	v42 =	vld.idx.msk [tilespmem:v15+s4+$0x0], $0xffff  }
0x80: {  	v43 =	vld.idx.msk [tilespmem:v12+s4+$0x0], $0xffff  }
0x81: {  	v5 =	vld.idx.msk [tilespmem:v13+s4+$0x0], $0xffff  }
0x82: {  	v3 =	vld.idx.msk [tilespmem:v3+s4+$0x0], $0xffff  }
0x83: {  	v44 =	vld.idx.msk [tilespmem:v16+s4+$0x0], $0xffff  }
0x84: {  	v17 =	vld.idx.msk [tilespmem:v17+s4+$0x0], $0xffff  }
0x85: {  	v45 =	vld.idx.msk [tilespmem:v18+s4+$0x0], $0xffff  }
0x86: {  	v19 =	vld.idx.msk [tilespmem:v19+s4+$0x0], $0xffff  }
0x87: {  	v12 =	vld.idx.msk [tilespmem:v20+s4+$0x0], $0xffff  }
0x88: {  	v13 =	vld.idx.msk [tilespmem:v22+s4+$0x0], $0xffff  }
0x89: {  	v16 =	vld.idx.msk [tilespmem:v25+s4+$0x0], $0xffff  }
0x8a: {  	v18 =	vld.idx.msk [tilespmem:v26+s4+$0x0], $0xffff  }
0x8b: {  	v20 =	vld.idx.msk [tilespmem:v33+s4+$0x0], $0xffff  }
0x8c: {  	v22 =	vld.idx.msk [tilespmem:v34+s4+$0x0], $0xffff  }
0x8d: {  	v25 =	vld.idx.msk [tilespmem:v35+s4+$0x0], $0xffff  }
0x8e: {  	s18 =	sadd.s32 $0x4, s18;
	v26 =	vld.idx.msk [tilespmem:v36+s4+$0x0], $0xffff  }
0x8f: {  	p0 =	slt.u32 s18, $0xC4;
	v27 =	vld.idx.msk [tilespmem:v27+s4+$0x0], $0xffff  }
0x90: {  	v28 =	vld.idx.msk [tilespmem:v28+s4+$0x0], $0xffff  }
0x91: {  	v14 =	vld.idx.msk [tilespmem:v29+s4+$0x0], $0xffff  }
0x92: {  	v15 =	vld.idx.msk [tilespmem:v30+s4+$0x0], $0xffff  }
0x93: {  	v4 =	vadd.f32 v20, v4;
	v2 =	vadd.f32 v22, v2;
	v20 =	vld.idx.msk [tilespmem:v37+s4+$0x0], $0xffff  }
0x94: {  	v1 =	vadd.f32 v25, v1;
	v0 =	vadd.f32 v26, v0;
	v22 =	vld.idx.msk [tilespmem:v38+s4+$0x0], $0xffff  }
0x95: {  	v4 =	vadd.f32 v16, v4;
	v2 =	vadd.f32 v18, v2;
	v25 =	vld.idx.msk [tilespmem:v39+s4+$0x0], $0xffff  }
0x96: {  	v1 =	vadd.f32 v27, v1;
	v0 =	vadd.f32 v28, v0;
	v26 =	vld.idx.msk [tilespmem:v40+s4+$0x0], $0xffff  }
0x97: {  	v4 =	vadd.f32 v44, v4;
	v2 =	vadd.f32 v17, v2;
	v16 =	vld.idx.msk [tilespmem:v31+s4+$0x0], $0xffff  }
.Ltmp0:
0x98: {  	v1 =	vadd.f32 v45, v1;
	v0 =	vadd.f32 v19, v0;
	v18 =	vld.idx.msk [tilespmem:v32+s4+$0x0], $0xffff;
	(pc) =	sbr.rel @p0 .LBB2_2-.Ltmp0, $4  }
0x99: {  	v4 =	vadd.f32 v21, v4;
	v2 =	vadd.f32 v41, v2;
	v17 =	vld.idx.msk [tilespmem:v23+s4+$0x0], $0xffff  }
0x9a: {  	v1 =	vadd.f32 v42, v1;
	v0 =	vadd.f32 v43, v0;
	v19 =	vld.idx.msk [tilespmem:v24+s4+$0x0], $0xffff  }
0x9b: {  	v6 =	vadd.f32 v20, v6;
	v7 =	vadd.f32 v22, v7;
	v11 =	vld.idx.msk [tilespmem:v11+s4+$0x0], $0xffff  }
0x9c: {  	s19 =	sadd.s32 $0x200, s19;
	v8 =	vadd.f32 v25, v8;
	v20 =	vadd.f32 v26, v9;
	v9 =	vld.idx.msk [tilespmem:v10+s4+$0x0], $0xffff  }
0x9d: {  	v10 =	vld.msk [tilespmem:$0x1EB80 ss:$0x0], $0xffff;
	_ =	sdelay $0x1  }
0x9e: {  	v6 =	vadd.f32 v14, v6;
	v7 =	vadd.f32 v15, v7  }
0x9f: {  	v8 =	vadd.f32 v16, v8;
	v56 =	vadd.f32 v18, v20  }
0xa0: {  	v6 =	vadd.f32 v12, v6;
	v7 =	vadd.f32 v13, v7  }
0xa1: {  	v8 =	vadd.f32 v17, v8;
	v4 =	vadd.f32 v10, v4  }
0xa2: {  	v57 =	vadd.f32 v19, v56;
	v2 =	vadd.f32 v10, v2  }
0xa3: {  	v5 =	vadd.f32 v5, v6;
	v1 =	vadd.f32 v10, v1;
	[tilespmem:$0x1EB00] =	vst v4  }
0xa4: {  	v3 =	vadd.f32 v3, v7;
	v0 =	vadd.f32 v10, v0;
	[tilespmem:$0x1EB10] =	vst v2  }
0xa5: {  	v58 =	vadd.f32 v11, v8;
	v59 =	vadd.f32 v10, v5;
	[tilespmem:$0x1EB20] =	vst v1  }
0xa6: {  	v60 =	vadd.f32 v9, v57;
	v61 =	vadd.f32 v10, v3;
	[tilespmem:$0x1EB30] =	vst v0  }
0xa7: {  	v62 =	vadd.f32 v10, v58;
	[tilespmem:$0x1EB40] =	vst v59  }
0xa8: {  	s17 =	sadd.s32 $0x1, s17;
	v63 =	vadd.f32 v10, v60;
	[tilespmem:$0x1EB50] =	vst v61  }
0xa9: {  	p0 =	sne.s32 s17, s7;
	[tilespmem:$0x1EB60] =	vst v62  }
.Ltmp1:
0xaa: {  	[tilespmem:$0x1EB70] =	vst v63;
	(pc) =	sbr.rel @p0 .LBB2_1-.Ltmp1, $4  }
0xab: {  	[hbm4b:s6+s4] =	stream.linear.scatter [tilespmem:s15], [sflag:$0x4], $0x80, $0x38;
	[tilespmem:$0x1EC00] =	vst v63  }
0xac: {  	_ =	swait.ge [sflag:s16], $0x80  }
0xad: {  	[sflag:s16] =	ssyncset.done $0x0  }
0xae: {  	[sflag:s16] =	ssyncadd.s32 $0xFFFFFF80  }
0xaf: {  	_ =	sfence.sel $0x180000  }
0xb0: {  	[bflag:$0x0] =	sbarrier.arrive $0xFFFF  }
0xb1: {  	p0 =	sne.s32 s2, $0x0;
	_ =	strace $0x90000047  }
0xb2: {  	s0 =	sadd.s32 @!p0 $0x100000, s0;
	[bflag:$0x2] =	sbarrier.arrive $0xFFFF  }
0xb3: {  	[sflag:s0] =	ssyncadd.tile.s32 @!p0 $0x1;
	_ =	shalt  }
.Lfunc_end2:
_tile_overlayer_lowered:
.L_overlay_start_2:
0xb4: {  	(tag) =	ssettag $0x2  }
0xb5: {  	s0 =	rddreg [dreg:$0x0];
	s2 =	stileid.u32  }
0xb6: {  	s1 =	rddreg [dreg:$0x1];
	p0 =	sne.s32 s2, $0x0  }
0xb7: {  	s3 =	rddreg [dreg:$0x2];
	[bflag:$0x3] =	sbarrier.arrive $0xFFFF;
	s2 =	simm.s32 @!p0 $0x1C04  }
0xb8: {  	[timem:s3], [sflag:s2] =	dma.local @!p0 [hbm:s0], s1  }
0xb9: {  	s0 =	simm.s32 @!p0 $0x4  }
0xba: {  	_ =	swait.ge @!p0 [sflag:s0], s1  }
0xbb: {  	s1 =	ssub.s32 @!p0 $0x0, s1;
	[sflag:s0] =	ssyncset.done @!p0 $0x0  }
0xbc: {  	[sflag:s0] =	ssyncadd.s32 @!p0 s1  }
0xbd: {  	[bflag:$0x3] =	sbarrier.arrive $0xFFFF  }
0xbe: {  	_ =	shalt  }

</sc_bundles>
